<compile_context>
chip_gen: v7x
topology: tpu7x:2x2x1
jax: 0.10.2.dev20260603
libtpu: 0.0.44.dev20260713+nightly
codegen_flags: <defaults>
</compile_context>

<pallas_src>
import functools

import jax
import jax.numpy as jnp
from jax import lax
from jax.experimental import pallas as pl
from jax.experimental.pallas import tpu as pltpu
from jax.experimental.pallas import tpu_sc as plsc

_BLK = 2304
_CHK = 2048


def _tc_body(n_steps, x_ref, w_ref, idx_ref, lsum_ref, acc_ref):
    i = pl.program_id(0)
    k = w_ref.shape[0]

    @pl.when(i == 0)
    def _init():
        acc_ref[...] = jnp.zeros_like(acc_ref)

    x = x_ref[...]
    w = w_ref[...]
    sx = jnp.sum(x * x, axis=1)
    sw = jnp.sum(w * w, axis=1)
    xb = x.astype(jnp.bfloat16)

    rv = jnp.full((x.shape[0],), jnp.inf, jnp.float32)
    idx = jnp.zeros((x.shape[0],), jnp.int32)
    for c in range(k // _CHK):
        wc = w_ref[pl.ds(c * _CHK, _CHK), :]
        m = lax.dot_general(xb, wc, (((1,), (1,)), ((), ())),
                            preferred_element_type=jnp.float32)
        chunk = sx[:, None] + sw[c * _CHK:(c + 1) * _CHK][None, :] - 2.0 * m
        mc = jnp.min(chunk, axis=1)
        ic = jnp.argmin(chunk, axis=1).astype(jnp.int32) + c * _CHK
        take = (mc < rv) | ((mc == rv) & (ic < idx))
        rv = jnp.where(take, mc, rv).astype(jnp.bfloat16).astype(jnp.float32)
        idx = jnp.where(take, ic, idx)
    idx_ref[0, 0, :] = idx
    acc_ref[...] += jnp.sum(rv).reshape(1, 1)

    @pl.when(i == n_steps - 1)
    def _fin():
        lsum_ref[...] = acc_ref[...]


def _tc_stage(x, w):
    n, d_dim = x.shape
    k = w.shape[0]
    steps = n // _BLK
    return pl.pallas_call(
        functools.partial(_tc_body, steps),
        grid=(steps,),
        in_specs=[
            pl.BlockSpec((_BLK, d_dim), lambda i: (i, 0)),
            pl.BlockSpec((k, d_dim), lambda i: (0, 0)),
        ],
        out_specs=[
            pl.BlockSpec((1, 1, _BLK), lambda i: (i, 0, 0)),
            pl.BlockSpec((1, 1), lambda i: (0, 0)),
        ],
        out_shape=[
            jax.ShapeDtypeStruct((steps, 1, _BLK), jnp.int32),
            jax.ShapeDtypeStruct((1, 1), jnp.float32),
        ],
        scratch_shapes=[
            pltpu.VMEM((1, 1), jnp.float32),
        ],
    )(x, w)


def _sc_stage(w, idx):
    n = idx.shape[0]
    k, d_dim = w.shape
    info = plsc.get_sparse_core_info()
    nw = info.num_cores * info.num_subcores
    bpw = n // nw
    mesh = plsc.VectorSubcoreMesh(core_axis_name="c", subcore_axis_name="s")

    @functools.partial(
        pl.kernel,
        mesh=mesh,
        compiler_params=pltpu.CompilerParams(use_tc_tiling_on_sc=False,
                                             needs_layout_passes=False),
        out_type=[
            jax.ShapeDtypeStruct((n, d_dim), jnp.float32),
            jax.ShapeDtypeStruct((nw, k), jnp.float32),
        ],
        scratch_types=[
            pltpu.VMEM((bpw,), jnp.int32),
            pltpu.VMEM((bpw, d_dim), jnp.float32),
            pltpu.VMEM((k,), jnp.float32),
            pltpu.SemaphoreType.DMA,
        ],
    )
    def gather_hist_kernel(w_hbm, idx_hbm, out_hbm, cnt_hbm,
                           idx_v, rows_v, cnt_v, sem):
        wid = lax.axis_index("s") * info.num_cores + lax.axis_index("c")
        base = wid * bpw
        pltpu.sync_copy(idx_hbm.at[pl.ds(base, bpw)], idx_v)
        gather = pltpu.async_copy(w_hbm.at[idx_v], rows_v, sem)

        zero = jnp.zeros((16,), jnp.float32)

        def zstep(j, carry):
            cnt_v[pl.ds(j * 16, 16)] = zero
            return carry

        lax.fori_loop(0, k // 16, zstep, 0)

        ones = jnp.ones((16,), jnp.float32)

        def hstep(j, carry):
            iv = idx_v[pl.ds(j * 16, 16)]
            plsc.addupdate_scatter(cnt_v, [iv], ones)
            return carry

        lax.fori_loop(0, bpw // 16, hstep, 0)
        pltpu.sync_copy(cnt_v, cnt_hbm.at[wid])

        gather.wait()
        pltpu.sync_copy(rows_v, out_hbm.at[pl.ds(base, bpw)])

    return gather_hist_kernel(w, idx)


def _fin_body(n_rows, d_dim, cnt_ref, lsum_ref, loss_ref, perp_ref):
    counts = jnp.sum(cnt_ref[...], axis=0)
    avg = counts * (1.0 / n_rows)
    ent = jnp.sum(avg * jnp.log(avg + 1e-10))
    perp_ref[...] = jnp.exp(-ent).reshape(1, 1)
    loss_ref[...] = lsum_ref[...] * (0.25 / (n_rows * d_dim))


def _fin_stage(cnt, lsum, n_rows, d_dim):
    nw, k = cnt.shape
    return pl.pallas_call(
        functools.partial(_fin_body, n_rows, d_dim),
        in_specs=[
            pl.BlockSpec((nw, k), lambda: (0, 0)),
            pl.BlockSpec((1, 1), lambda: (0, 0)),
        ],
        out_specs=[
            pl.BlockSpec((1, 1), lambda: (0, 0)),
            pl.BlockSpec((1, 1), lambda: (0, 0)),
        ],
        out_shape=[
            jax.ShapeDtypeStruct((1, 1), jnp.float32),
            jax.ShapeDtypeStruct((1, 1), jnp.float32),
        ],
    )(cnt, lsum)


def kernel(inputs, w):
    d_dim = inputs.shape[-1]
    x = inputs.reshape(-1, d_dim)
    n = x.shape[0]
    idx3, lsum = _tc_stage(x, w)
    idx = idx3.reshape(-1)
    q, cnt = _sc_stage(w, idx)
    loss, perp = _fin_stage(cnt, lsum, n, d_dim)
    quantized = q.reshape(inputs.shape)
    quantized_st = inputs + (quantized - inputs)
    return (loss[0, 0], quantized_st, perp[0, 0], idx[:, None])

# --- scband reference (transcript-rebuilt; emitter-appended) ---
"""Pipeline reference for scband-hard-som-927712936091 (READ-ONLY COPY).

The authoritative reference and input builder live on the scoring server;
editing this copy changes nothing except your own understanding.
"""

import jax, jax.numpy as jnp
import numpy as np

NUM_EMBEDDINGS = 8192
EMBEDDING_DIM = 64
COMMITMENT_COST = 0.25


def setup_inputs(seed: int = 0) -> dict:
    key = jax.random.key(seed)
    k1, k2 = jax.random.split(key)
    inputs = jax.random.normal(k1, (16, 576, EMBEDDING_DIM), dtype=jnp.float32)
    w = jax.random.normal(k2, (NUM_EMBEDDINGS, EMBEDDING_DIM), dtype=jnp.float32)
    return {"inputs": inputs, "w": w}


def reference(inputs, w):
    input_shape = inputs.shape
    flat_input = inputs.reshape(-1, EMBEDDING_DIM)
    # squared L2 distance to every codebook vector
    distances = (
        jnp.sum(flat_input ** 2, axis=1, keepdims=True)
        + jnp.sum(w ** 2, axis=1)
        - 2.0 * jnp.matmul(flat_input, w.T)
    )
    encoding_indices = jnp.argmin(distances, axis=1)
    encodings = jax.nn.one_hot(encoding_indices, NUM_EMBEDDINGS, dtype=jnp.float32)
    # embed_code: F.embedding(embed_id, self._w)
    quantized = jnp.take(w, encoding_indices, axis=0).reshape(input_shape)
    avg_probs = jnp.mean(encodings, axis=0)
    perplexity = jnp.exp(-jnp.sum(avg_probs * jnp.log(avg_probs + 1e-10)))
    # commitment loss (quantized detached)
    loss = jnp.mean((jax.lax.stop_gradient(quantized) - inputs) ** 2) * COMMITMENT_COST
    # straight-through estimator
    quantized_st = inputs + jax.lax.stop_gradient(quantized - inputs)
    return (loss, quantized_st, perplexity, encoding_indices[:, None])

if __name__ == "__main__":
    import jax
    _d = setup_inputs()
    print(jax.jit(kernel)(*tuple(_d.values())))

</pallas_src>

<mosaic_0001>
#map = affine_map<(d0, d1) -> (0, 0)>
#map1 = affine_map<(d0, d1) -> (0)>
module attributes {stable_mosaic.version = 14 : i64} {
  func.func @gather_hist_kernel(%arg0: i32, %arg1: i32, %arg2: memref<8192x64xf32, #tpu.memory_space<hbm>>, %arg3: memref<9216xi32, #tpu.memory_space<hbm>>, %arg4: memref<9216x64xf32, #tpu.memory_space<hbm>>, %arg5: memref<32x8192xf32, #tpu.memory_space<hbm>>, %arg6: memref<288xi32, #tpu.memory_space<vmem>>, %arg7: memref<288x64xf32, #tpu.memory_space<vmem>>, %arg8: memref<8192xf32, #tpu.memory_space<vmem>>, %arg9: memref<!tpu.dma_semaphore, #tpu.memory_space<semaphore_mem>>) attributes {dimension_semantics = [#tpu.dimension_semantics<core_parallel>, #tpu.dimension_semantics<subcore_parallel>], iteration_bounds = array<i64: 2, 16>, scalar_prefetch = 0 : i64, scratch_operands = 4 : i64, tpu.core_type = #tpu.core_type<sc_vector_subcore>, window_params = [{transform_indices = #map}, {transform_indices = #map1}, {transform_indices = #map}, {transform_indices = #map}]} {
    %mul3A = arith.constant 2 : i32
    %mul3A_0 = arith.muli %arg1, %mul3A : i32
    %add3A = arith.addi %mul3A_0, %arg0 : i32
    %mul3A_1 = arith.constant 288 : i32
    %mul3A_2 = arith.muli %add3A, %mul3A_1 : i32
    "tpu.region"() ({
      %run_scoped3A = tpu.sem_alloc : memref<!tpu.dma_semaphore, #tpu.memory_space<semaphore_mem>>
      %dma_start3A_21 = tpu.memref_slice %arg3[%mul3A_2] : memref<9216xi32, #tpu.memory_space<hbm>> -> memref<288xi32, #tpu.memory_space<hbm>>
      %dma_start3A_22 = tpu.memref_slice %arg3[%mul3A_2] : memref<9216xi32, #tpu.memory_space<hbm>> -> memref<288xi32, #tpu.memory_space<hbm>>
      tpu.enqueue_dma source(%dma_start3A_22 : memref<288xi32, #tpu.memory_space<hbm>>) target(%arg6 : memref<288xi32, #tpu.memory_space<vmem>>) target_semaphore(%run_scoped3A : memref<!tpu.dma_semaphore, #tpu.memory_space<semaphore_mem>>)
      %dma_wait3A_23 = tpu.memref_slice %arg3[%mul3A_2] : memref<9216xi32, #tpu.memory_space<hbm>> -> memref<288xi32, #tpu.memory_space<hbm>>
      %dma_wait3A_24 = tpu.memref_slice %arg3[%mul3A_2] : memref<9216xi32, #tpu.memory_space<hbm>> -> memref<288xi32, #tpu.memory_space<hbm>>
      tpu.wait_dma2 semaphore(%run_scoped3A : memref<!tpu.dma_semaphore, #tpu.memory_space<semaphore_mem>>) src(%dma_wait3A_24 : memref<288xi32, #tpu.memory_space<hbm>>) dst(%arg6 : memref<288xi32, #tpu.memory_space<vmem>>)
      tpu.yield
    }) : () -> ()
    %dma_start3A = arith.constant 0 : i32
    %dma_start3A_3 = arith.constant 0 : i32
    %dma_start3A_4 = tpu.memref_slice %arg2[%dma_start3A, %dma_start3A_3] : memref<8192x64xf32, #tpu.memory_space<hbm>> -> memref<8192x64xf32, #tpu.memory_space<hbm>>
    tpu.enqueue_indirect_dma source(%dma_start3A_4 : memref<8192x64xf32, #tpu.memory_space<hbm>>) target(%arg7 : memref<288x64xf32, #tpu.memory_space<vmem>>) offsets(%arg6 : memref<288xi32, #tpu.memory_space<vmem>>) semaphore(%arg9 : memref<!tpu.dma_semaphore, #tpu.memory_space<semaphore_mem>>)
    %broadcast_in_dim3A = arith.constant 0.000000e+00 : f32
    %broadcast_in_dim3A_5 = vector.broadcast %broadcast_in_dim3A : f32 to vector<16xf32>
    %scan3A = arith.constant 0 : i32
    %scan3A_6 = arith.constant 0 : i32
    %scan3A_7 = arith.constant 512 : i32
    %scan3A_8 = arith.addi %scan3A_6, %scan3A_7 : i32
    %scan3A_9 = arith.constant 1 : i32
    scf.for %scan3A_21 = %scan3A_6 to %scan3A_8 step %scan3A_9  : i32 {
      %mul3A_22 = arith.constant 16 : i32
      %mul3A_23 = arith.muli %scan3A_21, %mul3A_22 : i32
      %swap3A = arith.index_cast %mul3A_23 : i32 to index
      %swap3A_24 = tpu.vector_load %arg8[%swap3A] {strides = array<i32>} : memref<8192xf32, #tpu.memory_space<vmem>>, vector<16xf32>,
      tpu.vector_store %arg8[%swap3A], %broadcast_in_dim3A_5 {strides = array<i32>} : memref<8192xf32, #tpu.memory_space<vmem>>, vector<16xf32>,
    }
    %scan3A_10 = arith.constant 512 : i32
    %broadcast_in_dim3A_11 = arith.constant 1.000000e+00 : f32
    %broadcast_in_dim3A_12 = vector.broadcast %broadcast_in_dim3A_11 : f32 to vector<16xf32>
    %scan3A_13 = arith.constant 0 : i32
    %scan3A_14 = arith.constant 0 : i32
    %scan3A_15 = arith.constant 18 : i32
    %scan3A_16 = arith.addi %scan3A_14, %scan3A_15 : i32
    %scan3A_17 = arith.constant 1 : i32
    scf.for %scan3A_21 = %scan3A_14 to %scan3A_16 step %scan3A_17  : i32 {
      %mul3A_22 = arith.constant 16 : i32
      %mul3A_23 = arith.muli %scan3A_21, %mul3A_22 : i32
      %get3A = arith.index_cast %mul3A_23 : i32 to index
      %get3A_24 = tpu.vector_load %arg6[%get3A] {strides = array<i32>} : memref<288xi32, #tpu.memory_space<vmem>>, vector<16xi32>,
      tpu.vector_store_idx %arg8[%get3A_24], %broadcast_in_dim3A_12 {add = true} : memref<8192xf32, #tpu.memory_space<vmem>>[vector<16xi32>], vector<16xf32>,
    }
    %scan3A_18 = arith.constant 18 : i32
    "tpu.region"() ({
      %run_scoped3A = tpu.sem_alloc : memref<!tpu.dma_semaphore, #tpu.memory_space<semaphore_mem>>
      %dma_start3A_21 = arith.constant 0 : i32
      %dma_start3A_22 = tpu.memref_slice %arg5[%add3A, %dma_start3A_21] : memref<32x8192xf32, #tpu.memory_space<hbm>> -> memref<1x8192xf32, #tpu.memory_space<hbm>>
      %dma_start3A_23 = tpu.memref_squeeze %dma_start3A_22 : memref<1x8192xf32, #tpu.memory_space<hbm>> -> memref<8192xf32, #tpu.memory_space<hbm>>
      %dma_start3A_24 = arith.constant 0 : i32
      %dma_start3A_25 = tpu.memref_slice %arg5[%add3A, %dma_start3A_24] : memref<32x8192xf32, #tpu.memory_space<hbm>> -> memref<1x8192xf32, #tpu.memory_space<hbm>>
      %dma_start3A_26 = tpu.memref_squeeze %dma_start3A_25 : memref<1x8192xf32, #tpu.memory_space<hbm>> -> memref<8192xf32, #tpu.memory_space<hbm>>
      tpu.enqueue_dma source(%arg8 : memref<8192xf32, #tpu.memory_space<vmem>>) target(%dma_start3A_26 : memref<8192xf32, #tpu.memory_space<hbm>>) target_semaphore(%run_scoped3A : memref<!tpu.dma_semaphore, #tpu.memory_space<semaphore_mem>>)
      %dma_wait3A_27 = arith.constant 0 : i32
      %dma_wait3A_28 = tpu.memref_slice %arg5[%add3A, %dma_wait3A_27] : memref<32x8192xf32, #tpu.memory_space<hbm>> -> memref<1x8192xf32, #tpu.memory_space<hbm>>
      %dma_wait3A_29 = tpu.memref_squeeze %dma_wait3A_28 : memref<1x8192xf32, #tpu.memory_space<hbm>> -> memref<8192xf32, #tpu.memory_space<hbm>>
      %dma_wait3A_30 = arith.constant 0 : i32
      %dma_wait3A_31 = tpu.memref_slice %arg5[%add3A, %dma_wait3A_30] : memref<32x8192xf32, #tpu.memory_space<hbm>> -> memref<1x8192xf32, #tpu.memory_space<hbm>>
      %dma_wait3A_32 = tpu.memref_squeeze %dma_wait3A_31 : memref<1x8192xf32, #tpu.memory_space<hbm>> -> memref<8192xf32, #tpu.memory_space<hbm>>
      tpu.wait_dma2 semaphore(%run_scoped3A : memref<!tpu.dma_semaphore, #tpu.memory_space<semaphore_mem>>) src(%arg8 : memref<8192xf32, #tpu.memory_space<vmem>>) dst(%dma_wait3A_32 : memref<8192xf32, #tpu.memory_space<hbm>>)
      tpu.yield
    }) : () -> ()
    %dma_wait3A = arith.constant 0 : i32
    %dma_wait3A_19 = arith.constant 0 : i32
    %dma_wait3A_20 = tpu.memref_slice %arg2[%dma_wait3A, %dma_wait3A_19] : memref<8192x64xf32, #tpu.memory_space<hbm>> -> memref<8192x64xf32, #tpu.memory_space<hbm>>
    tpu.wait_indirect_dma semaphore(%arg9 : memref<!tpu.dma_semaphore, #tpu.memory_space<semaphore_mem>>) src(%dma_wait3A_20 : memref<8192x64xf32, #tpu.memory_space<hbm>>) dst(%arg7 : memref<288x64xf32, #tpu.memory_space<vmem>>)
    "tpu.region"() ({
      %run_scoped3A = tpu.sem_alloc : memref<!tpu.dma_semaphore, #tpu.memory_space<semaphore_mem>>
      %dma_start3A_21 = arith.constant 0 : i32
      %dma_start3A_22 = tpu.memref_slice %arg4[%mul3A_2, %dma_start3A_21] : memref<9216x64xf32, #tpu.memory_space<hbm>> -> memref<288x64xf32, #tpu.memory_space<hbm>>
      %dma_start3A_23 = arith.constant 0 : i32
      %dma_start3A_24 = tpu.memref_slice %arg4[%mul3A_2, %dma_start3A_23] : memref<9216x64xf32, #tpu.memory_space<hbm>> -> memref<288x64xf32, #tpu.memory_space<hbm>>
      tpu.enqueue_dma source(%arg7 : memref<288x64xf32, #tpu.memory_space<vmem>>) target(%dma_start3A_24 : memref<288x64xf32, #tpu.memory_space<hbm>>) target_semaphore(%run_scoped3A : memref<!tpu.dma_semaphore, #tpu.memory_space<semaphore_mem>>)
      %dma_wait3A_25 = arith.constant 0 : i32
      %dma_wait3A_26 = tpu.memref_slice %arg4[%mul3A_2, %dma_wait3A_25] : memref<9216x64xf32, #tpu.memory_space<hbm>> -> memref<288x64xf32, #tpu.memory_space<hbm>>
      %dma_wait3A_27 = arith.constant 0 : i32
      %dma_wait3A_28 = tpu.memref_slice %arg4[%mul3A_2, %dma_wait3A_27] : memref<9216x64xf32, #tpu.memory_space<hbm>> -> memref<288x64xf32, #tpu.memory_space<hbm>>
      tpu.wait_dma2 semaphore(%run_scoped3A : memref<!tpu.dma_semaphore, #tpu.memory_space<semaphore_mem>>) src(%arg7 : memref<288x64xf32, #tpu.memory_space<vmem>>) dst(%dma_wait3A_28 : memref<288x64xf32, #tpu.memory_space<hbm>>)
      tpu.yield
    }) : () -> ()
    return
  }
}

module attributes {stable_mosaic.version = 14 : i64} {
  func.func @_tc_body(%arg0: i32, %arg1: memref<2304x64xf32, #tpu.memory_space<vmem>>, %arg2: memref<8192x64xf32, #tpu.memory_space<vmem>>, %arg3: memref<1x1x2304xi32, #tpu.memory_space<vmem>>, %arg4: memref<1x1xf32, #tpu.memory_space<vmem>>, %arg5: memref<1x1xf32, #tpu.memory_space<vmem>>) attributes {dimension_semantics = [#tpu.dimension_semantics<arbitrary>], iteration_bounds = array<i64: 4>, scalar_prefetch = 0 : i64, scratch_operands = 1 : i64, tpu.core_type = #tpu.core_type<tc>, window_params = [{transform_indices = @transform_0, window_bounds = array<i64: 2304, 64>}, {pipeline_mode = #tpu.pipeline_mode<synchronous>, transform_indices = @transform_1, window_bounds = array<i64: 8192, 64>}, {transform_indices = @transform_2, window_bounds = array<i64: 1, 1, 2304>}, {pipeline_mode = #tpu.pipeline_mode<synchronous>, transform_indices = @transform_3, window_bounds = array<i64: 1, 1>}]} {
    %eq3A = arith.constant 0 : i32
    %eq3A_0 = arith.cmpi eq, %arg0, %eq3A : i32
    %convert_element_type3A = arith.extui %eq3A_0 : i1 to i32
    %cond3A = arith.constant 0 : i32
    %cond3A_1 = arith.cmpi ne, %convert_element_type3A, %cond3A : i32
    scf.if %cond3A_1 {
      %broadcast_in_dim3A_147 = arith.constant 0.000000e+00 : f32
      %broadcast_in_dim3A_148 = vector.broadcast %broadcast_in_dim3A_147 : f32 to vector<1x1xf32>
      %swap3A_149 = arith.constant 0 : index
      %swap3A_150 = arith.constant 0 : index
      %swap3A_151 = vector.load %arg5[%swap3A_149, %swap3A_150] : memref<1x1xf32, #tpu.memory_space<vmem>>, vector<1x1xf32>
      tpu.vector_store %arg5[%swap3A_149, %swap3A_150], %broadcast_in_dim3A_148 {strides = array<i32>} : memref<1x1xf32, #tpu.memory_space<vmem>>, vector<1x1xf32>,
    } else {
    }
    %get3A = arith.constant 0 : index
    %get3A_2 = arith.constant 0 : index
    %get3A_3 = vector.load %arg1[%get3A, %get3A_2] : memref<2304x64xf32, #tpu.memory_space<vmem>>, vector<2304x64xf32>
    %get3A_4 = arith.constant 0 : index
    %get3A_5 = arith.constant 0 : index
    %get3A_6 = vector.load %arg2[%get3A_4, %get3A_5] : memref<8192x64xf32, #tpu.memory_space<vmem>>, vector<8192x64xf32>
    %mul3A = arith.mulf %get3A_3, %get3A_3 : vector<2304x64xf32>
    %reduce_sum3A = arith.constant dense<0.000000e+00> : vector<2304xf32>
    %reduce_sum3A_7 = vector.multi_reduction <add>, %mul3A, %reduce_sum3A [1] : vector<2304x64xf32> to vector<2304xf32>
    %mul3A_8 = arith.mulf %get3A_6, %get3A_6 : vector<8192x64xf32>
    %reduce_sum3A_9 = arith.constant dense<0.000000e+00> : vector<8192xf32>
    %reduce_sum3A_10 = vector.multi_reduction <add>, %mul3A_8, %reduce_sum3A_9 [1] : vector<8192x64xf32> to vector<8192xf32>
    %convert_element_type3A_11 = arith.truncf %get3A_3 : vector<2304x64xf32> to vector<2304x64xbf16>
    %broadcast_in_dim3A = arith.constant 0x7F800000 : f32
    %broadcast_in_dim3A_12 = vector.broadcast %broadcast_in_dim3A : f32 to vector<2304xf32>
    %broadcast_in_dim3A_13 = arith.constant 0 : i32
    %broadcast_in_dim3A_14 = vector.broadcast %broadcast_in_dim3A_13 : i32 to vector<2304xi32>
    %get3A_15 = arith.constant 0 : index
    %get3A_16 = arith.constant 0 : index
    %get3A_17 = vector.load %arg2[%get3A_15, %get3A_16] : memref<8192x64xf32, #tpu.memory_space<vmem>>, vector<2048x64xf32>
    %dot_general3A = arith.constant dense<0.000000e+00> : vector<2304x2048xf32>
    %dot_general3A_18 = tpu.matmul %convert_element_type3A_11, %get3A_17, %dot_general3A {dimension_numbers = #tpu.dot_dimension_numbers<[1], [1], [0], [0], [0, 0, 1, 0], [], []>, transpose_lhs_hint = false} : vector<2304x64xbf16>, vector<2048x64xf32>, vector<2304x2048xf32> -> vector<2304x2048xf32>
    %broadcast_in_dim3A_19 = vector.shape_cast %reduce_sum3A_7 : vector<2304xf32> to vector<2304x1xf32>
    %slice3A = vector.extract_strided_slice %reduce_sum3A_10 {offsets = [0], sizes = [2048], strides = [1]} : vector<8192xf32> to vector<2048xf32>
    %broadcast_in_dim3A_20 = vector.shape_cast %slice3A : vector<2048xf32> to vector<1x2048xf32>
    %add3A = vector.broadcast %broadcast_in_dim3A_19 : vector<2304x1xf32> to vector<2304x2048xf32>
    %add3A_21 = vector.broadcast %broadcast_in_dim3A_20 : vector<1x2048xf32> to vector<2304x2048xf32>
    %add3A_22 = arith.addf %add3A, %add3A_21 : vector<2304x2048xf32>
    %mul3A_23 = arith.constant 2.000000e+00 : f32
    %mul3A_24 = vector.broadcast %mul3A_23 : f32 to vector<2304x2048xf32>
    %mul3A_25 = arith.mulf %mul3A_24, %dot_general3A_18 : vector<2304x2048xf32>
    %sub3A = arith.subf %add3A_22, %mul3A_25 : vector<2304x2048xf32>
    %reduce_min3A = arith.constant dense<0x7F800000> : vector<2304xf32>
    %reduce_min3A_26 = vector.multi_reduction <minimumf>, %sub3A, %reduce_min3A [1] : vector<2304x2048xf32> to vector<2304xf32>
    %argmin3A = tpu.reduce_index %sub3A {axis = 1 : i32, kind = #tpu.reduction_kind<arg_min>} : vector<2304x2048xf32> -> vector<2304xi32>
    %add3A_27 = arith.constant 0 : i32
    %add3A_28 = vector.broadcast %add3A_27 : i32 to vector<2304xi32>
    %add3A_29 = arith.addi %argmin3A, %add3A_28 : vector<2304xi32>
    %lt3A = arith.cmpf olt, %reduce_min3A_26, %broadcast_in_dim3A_12 : vector<2304xf32>
    %eq3A_30 = arith.cmpf oeq, %reduce_min3A_26, %broadcast_in_dim3A_12 : vector<2304xf32>
    %lt3A_31 = arith.cmpi slt, %add3A_29, %broadcast_in_dim3A_14 : vector<2304xi32>
    %and3A = arith.andi %eq3A_30, %lt3A_31 : vector<2304xi1>
    %or3A = arith.ori %lt3A, %and3A : vector<2304xi1>
    %select_n3A = arith.select %or3A, %reduce_min3A_26, %broadcast_in_dim3A_12 : vector<2304xi1>, vector<2304xf32>
    %convert_element_type3A_32 = arith.truncf %select_n3A : vector<2304xf32> to vector<2304xbf16>
    %convert_element_type3A_33 = arith.extf %convert_element_type3A_32 : vector<2304xbf16> to vector<2304xf32>
    %select_n3A_34 = arith.select %or3A, %add3A_29, %broadcast_in_dim3A_14 : vector<2304xi1>, vector<2304xi32>
    %get3A_35 = arith.constant 2048 : index
    %get3A_36 = arith.constant 0 : index
    %get3A_37 = vector.load %arg2[%get3A_35, %get3A_36] : memref<8192x64xf32, #tpu.memory_space<vmem>>, vector<2048x64xf32>
    %dot_general3A_38 = arith.constant dense<0.000000e+00> : vector<2304x2048xf32>
    %dot_general3A_39 = tpu.matmul %convert_element_type3A_11, %get3A_37, %dot_general3A_38 {dimension_numbers = #tpu.dot_dimension_numbers<[1], [1], [0], [0], [0, 0, 1, 0], [], []>, transpose_lhs_hint = false} : vector<2304x64xbf16>, vector<2048x64xf32>, vector<2304x2048xf32> -> vector<2304x2048xf32>
    %broadcast_in_dim3A_40 = vector.shape_cast %reduce_sum3A_7 : vector<2304xf32> to vector<2304x1xf32>
    %slice3A_41 = vector.extract_strided_slice %reduce_sum3A_10 {offsets = [2048], sizes = [2048], strides = [1]} : vector<8192xf32> to vector<2048xf32>
    %broadcast_in_dim3A_42 = vector.shape_cast %slice3A_41 : vector<2048xf32> to vector<1x2048xf32>
    %add3A_43 = vector.broadcast %broadcast_in_dim3A_40 : vector<2304x1xf32> to vector<2304x2048xf32>
    %add3A_44 = vector.broadcast %broadcast_in_dim3A_42 : vector<1x2048xf32> to vector<2304x2048xf32>
    %add3A_45 = arith.addf %add3A_43, %add3A_44 : vector<2304x2048xf32>
    %mul3A_46 = arith.constant 2.000000e+00 : f32
    %mul3A_47 = vector.broadcast %mul3A_46 : f32 to vector<2304x2048xf32>
    %mul3A_48 = arith.mulf %mul3A_47, %dot_general3A_39 : vector<2304x2048xf32>
    %sub3A_49 = arith.subf %add3A_45, %mul3A_48 : vector<2304x2048xf32>
    %reduce_min3A_50 = arith.constant dense<0x7F800000> : vector<2304xf32>
    %reduce_min3A_51 = vector.multi_reduction <minimumf>, %sub3A_49, %reduce_min3A_50 [1] : vector<2304x2048xf32> to vector<2304xf32>
    %argmin3A_52 = tpu.reduce_index %sub3A_49 {axis = 1 : i32, kind = #tpu.reduction_kind<arg_min>} : vector<2304x2048xf32> -> vector<2304xi32>
    %add3A_53 = arith.constant 2048 : i32
    %add3A_54 = vector.broadcast %add3A_53 : i32 to vector<2304xi32>
    %add3A_55 = arith.addi %argmin3A_52, %add3A_54 : vector<2304xi32>
    %lt3A_56 = arith.cmpf olt, %reduce_min3A_51, %convert_element_type3A_33 : vector<2304xf32>
    %eq3A_57 = arith.cmpf oeq, %reduce_min3A_51, %convert_element_type3A_33 : vector<2304xf32>
    %lt3A_58 = arith.cmpi slt, %add3A_55, %select_n3A_34 : vector<2304xi32>
    %and3A_59 = arith.andi %eq3A_57, %lt3A_58 : vector<2304xi1>
    %or3A_60 = arith.ori %lt3A_56, %and3A_59 : vector<2304xi1>
    %select_n3A_61 = arith.select %or3A_60, %reduce_min3A_51, %convert_element_type3A_33 : vector<2304xi1>, vector<2304xf32>
    %convert_element_type3A_62 = arith.truncf %select_n3A_61 : vector<2304xf32> to vector<2304xbf16>
    %convert_element_type3A_63 = arith.extf %convert_element_type3A_62 : vector<2304xbf16> to vector<2304xf32>
    %select_n3A_64 = arith.select %or3A_60, %add3A_55, %select_n3A_34 : vector<2304xi1>, vector<2304xi32>
    %get3A_65 = arith.constant 4096 : index
    %get3A_66 = arith.constant 0 : index
    %get3A_67 = vector.load %arg2[%get3A_65, %get3A_66] : memref<8192x64xf32, #tpu.memory_space<vmem>>, vector<2048x64xf32>
    %dot_general3A_68 = arith.constant dense<0.000000e+00> : vector<2304x2048xf32>
    %dot_general3A_69 = tpu.matmul %convert_element_type3A_11, %get3A_67, %dot_general3A_68 {dimension_numbers = #tpu.dot_dimension_numbers<[1], [1], [0], [0], [0, 0, 1, 0], [], []>, transpose_lhs_hint = false} : vector<2304x64xbf16>, vector<2048x64xf32>, vector<2304x2048xf32> -> vector<2304x2048xf32>
    %broadcast_in_dim3A_70 = vector.shape_cast %reduce_sum3A_7 : vector<2304xf32> to vector<2304x1xf32>
    %slice3A_71 = vector.extract_strided_slice %reduce_sum3A_10 {offsets = [4096], sizes = [2048], strides = [1]} : vector<8192xf32> to vector<2048xf32>
    %broadcast_in_dim3A_72 = vector.shape_cast %slice3A_71 : vector<2048xf32> to vector<1x2048xf32>
    %add3A_73 = vector.broadcast %broadcast_in_dim3A_70 : vector<2304x1xf32> to vector<2304x2048xf32>
    %add3A_74 = vector.broadcast %broadcast_in_dim3A_72 : vector<1x2048xf32> to vector<2304x2048xf32>
    %add3A_75 = arith.addf %add3A_73, %add3A_74 : vector<2304x2048xf32>
    %mul3A_76 = arith.constant 2.000000e+00 : f32
    %mul3A_77 = vector.broadcast %mul3A_76 : f32 to vector<2304x2048xf32>
    %mul3A_78 = arith.mulf %mul3A_77, %dot_general3A_69 : vector<2304x2048xf32>
    %sub3A_79 = arith.subf %add3A_75, %mul3A_78 : vector<2304x2048xf32>
    %reduce_min3A_80 = arith.constant dense<0x7F800000> : vector<2304xf32>
    %reduce_min3A_81 = vector.multi_reduction <minimumf>, %sub3A_79, %reduce_min3A_80 [1] : vector<2304x2048xf32> to vector<2304xf32>
    %argmin3A_82 = tpu.reduce_index %sub3A_79 {axis = 1 : i32, kind = #tpu.reduction_kind<arg_min>} : vector<2304x2048xf32> -> vector<2304xi32>
    %add3A_83 = arith.constant 4096 : i32
    %add3A_84 = vector.broadcast %add3A_83 : i32 to vector<2304xi32>
    %add3A_85 = arith.addi %argmin3A_82, %add3A_84 : vector<2304xi32>
    %lt3A_86 = arith.cmpf olt, %reduce_min3A_81, %convert_element_type3A_63 : vector<2304xf32>
    %eq3A_87 = arith.cmpf oeq, %reduce_min3A_81, %convert_element_type3A_63 : vector<2304xf32>
    %lt3A_88 = arith.cmpi slt, %add3A_85, %select_n3A_64 : vector<2304xi32>
    %and3A_89 = arith.andi %eq3A_87, %lt3A_88 : vector<2304xi1>
    %or3A_90 = arith.ori %lt3A_86, %and3A_89 : vector<2304xi1>
    %select_n3A_91 = arith.select %or3A_90, %reduce_min3A_81, %convert_element_type3A_63 : vector<2304xi1>, vector<2304xf32>
    %convert_element_type3A_92 = arith.truncf %select_n3A_91 : vector<2304xf32> to vector<2304xbf16>
    %convert_element_type3A_93 = arith.extf %convert_element_type3A_92 : vector<2304xbf16> to vector<2304xf32>
    %select_n3A_94 = arith.select %or3A_90, %add3A_85, %select_n3A_64 : vector<2304xi1>, vector<2304xi32>
    %get3A_95 = arith.constant 6144 : index
    %get3A_96 = arith.constant 0 : index
    %get3A_97 = vector.load %arg2[%get3A_95, %get3A_96] : memref<8192x64xf32, #tpu.memory_space<vmem>>, vector<2048x64xf32>
    %dot_general3A_98 = arith.constant dense<0.000000e+00> : vector<2304x2048xf32>
    %dot_general3A_99 = tpu.matmul %convert_element_type3A_11, %get3A_97, %dot_general3A_98 {dimension_numbers = #tpu.dot_dimension_numbers<[1], [1], [0], [0], [0, 0, 1, 0], [], []>, transpose_lhs_hint = false} : vector<2304x64xbf16>, vector<2048x64xf32>, vector<2304x2048xf32> -> vector<2304x2048xf32>
    %broadcast_in_dim3A_100 = vector.shape_cast %reduce_sum3A_7 : vector<2304xf32> to vector<2304x1xf32>
    %slice3A_101 = vector.extract_strided_slice %reduce_sum3A_10 {offsets = [6144], sizes = [2048], strides = [1]} : vector<8192xf32> to vector<2048xf32>
    %broadcast_in_dim3A_102 = vector.shape_cast %slice3A_101 : vector<2048xf32> to vector<1x2048xf32>
    %add3A_103 = vector.broadcast %broadcast_in_dim3A_100 : vector<2304x1xf32> to vector<2304x2048xf32>
    %add3A_104 = vector.broadcast %broadcast_in_dim3A_102 : vector<1x2048xf32> to vector<2304x2048xf32>
    %add3A_105 = arith.addf %add3A_103, %add3A_104 : vector<2304x2048xf32>
    %mul3A_106 = arith.constant 2.000000e+00 : f32
    %mul3A_107 = vector.broadcast %mul3A_106 : f32 to vector<2304x2048xf32>
    %mul3A_108 = arith.mulf %mul3A_107, %dot_general3A_99 : vector<2304x2048xf32>
    %sub3A_109 = arith.subf %add3A_105, %mul3A_108 : vector<2304x2048xf32>
    %reduce_min3A_110 = arith.constant dense<0x7F800000> : vector<2304xf32>
    %reduce_min3A_111 = vector.multi_reduction <minimumf>, %sub3A_109, %reduce_min3A_110 [1] : vector<2304x2048xf32> to vector<2304xf32>
    %argmin3A_112 = tpu.reduce_index %sub3A_109 {axis = 1 : i32, kind = #tpu.reduction_kind<arg_min>} : vector<2304x2048xf32> -> vector<2304xi32>
    %add3A_113 = arith.constant 6144 : i32
    %add3A_114 = vector.broadcast %add3A_113 : i32 to vector<2304xi32>
    %add3A_115 = arith.addi %argmin3A_112, %add3A_114 : vector<2304xi32>
    %lt3A_116 = arith.cmpf olt, %reduce_min3A_111, %convert_element_type3A_93 : vector<2304xf32>
    %eq3A_117 = arith.cmpf oeq, %reduce_min3A_111, %convert_element_type3A_93 : vector<2304xf32>
    %lt3A_118 = arith.cmpi slt, %add3A_115, %select_n3A_94 : vector<2304xi32>
    %and3A_119 = arith.andi %eq3A_117, %lt3A_118 : vector<2304xi1>
    %or3A_120 = arith.ori %lt3A_116, %and3A_119 : vector<2304xi1>
    %select_n3A_121 = arith.select %or3A_120, %reduce_min3A_111, %convert_element_type3A_93 : vector<2304xi1>, vector<2304xf32>
    %convert_element_type3A_122 = arith.truncf %select_n3A_121 : vector<2304xf32> to vector<2304xbf16>
    %convert_element_type3A_123 = arith.extf %convert_element_type3A_122 : vector<2304xbf16> to vector<2304xf32>
    %select_n3A_124 = arith.select %or3A_120, %add3A_115, %select_n3A_94 : vector<2304xi1>, vector<2304xi32>
    %swap3A = arith.constant 0 : index
    %swap3A_125 = arith.constant 0 : index
    %swap3A_126 = arith.constant 0 : index
    %swap3A_127 = vector.load %arg3[%swap3A, %swap3A_125, %swap3A_126] : memref<1x1x2304xi32, #tpu.memory_space<vmem>>, vector<1x1x2304xi32>
    %swap3A_128 = vector.shape_cast %swap3A_127 : vector<1x1x2304xi32> to vector<2304xi32>
    %swap3A_129 = vector.shape_cast %select_n3A_124 : vector<2304xi32> to vector<1x1x2304xi32>
    tpu.vector_store %arg3[%swap3A, %swap3A_125, %swap3A_126], %swap3A_129 {strides = array<i32>} : memref<1x1x2304xi32, #tpu.memory_space<vmem>>, vector<1x1x2304xi32>,
    %get3A_130 = arith.constant 0 : index
    %get3A_131 = arith.constant 0 : index
    %get3A_132 = vector.load %arg5[%get3A_130, %get3A_131] : memref<1x1xf32, #tpu.memory_space<vmem>>, vector<1x1xf32>
    %reduce_sum3A_133 = vector.shape_cast %convert_element_type3A_123 : vector<2304xf32> to vector<1x2304xf32>
    %reduce_sum3A_134 = arith.constant dense<0.000000e+00> : vector<1xf32>
    %reduce_sum3A_135 = vector.multi_reduction <add>, %reduce_sum3A_133, %reduce_sum3A_134 [1] : vector<1x2304xf32> to vector<1xf32>
    %reduce_sum3A_136 = vector.shape_cast %reduce_sum3A_135 : vector<1xf32> to vector<1x1xf32>
    %reduce_sum3A_137 = vector.extract %reduce_sum3A_136[0, 0] : f32 from vector<1x1xf32>
    %reshape3A = vector.broadcast %reduce_sum3A_137 : f32 to vector<1x1xf32>
    %add3A_138 = arith.addf %get3A_132, %reshape3A : vector<1x1xf32>
    %swap3A_139 = arith.constant 0 : index
    %swap3A_140 = arith.constant 0 : index
    %swap3A_141 = vector.load %arg5[%swap3A_139, %swap3A_140] : memref<1x1xf32, #tpu.memory_space<vmem>>, vector<1x1xf32>
    tpu.vector_store %arg5[%swap3A_139, %swap3A_140], %add3A_138 {strides = array<i32>} : memref<1x1xf32, #tpu.memory_space<vmem>>, vector<1x1xf32>,
    %eq3A_142 = arith.constant 3 : i32
    %eq3A_143 = arith.cmpi eq, %arg0, %eq3A_142 : i32
    %convert_element_type3A_144 = arith.extui %eq3A_143 : i1 to i32
    %cond3A_145 = arith.constant 0 : i32
    %cond3A_146 = arith.cmpi ne, %convert_element_type3A_144, %cond3A_145 : i32
    scf.if %cond3A_146 {
      %get3A_147 = arith.constant 0 : index
      %get3A_148 = arith.constant 0 : index
      %get3A_149 = vector.load %arg5[%get3A_147, %get3A_148] : memref<1x1xf32, #tpu.memory_space<vmem>>, vector<1x1xf32>
      %swap3A_150 = arith.constant 0 : index
      %swap3A_151 = arith.constant 0 : index
      %swap3A_152 = vector.load %arg4[%swap3A_150, %swap3A_151] : memref<1x1xf32, #tpu.memory_space<vmem>>, vector<1x1xf32>
      tpu.vector_store %arg4[%swap3A_150, %swap3A_151], %get3A_149 {strides = array<i32>} : memref<1x1xf32, #tpu.memory_space<vmem>>, vector<1x1xf32>,
    } else {
    }
    return
  }
  func.func @transform_0(%arg0: i32) -> (i32, i32) {
    %c0_i32 = arith.constant 0 : i32
    %c0_i32_0 = arith.constant 0 : i32
    return %arg0, %c0_i32 : i32, i32
  }
  func.func @transform_1(%arg0: i32) -> (i32, i32) {
    %c0_i32 = arith.constant 0 : i32
    %c0_i32_0 = arith.constant 0 : i32
    %c0_i32_1 = arith.constant 0 : i32
    return %c0_i32, %c0_i32_0 : i32, i32
  }
  func.func @transform_2(%arg0: i32) -> (i32, i32, i32) {
    %c0_i32 = arith.constant 0 : i32
    %c0_i32_0 = arith.constant 0 : i32
    %c0_i32_1 = arith.constant 0 : i32
    return %arg0, %c0_i32, %c0_i32_0 : i32, i32, i32
  }
  func.func @transform_3(%arg0: i32) -> (i32, i32) {
    %c0_i32 = arith.constant 0 : i32
    %c0_i32_0 = arith.constant 0 : i32
    %c0_i32_1 = arith.constant 0 : i32
    return %c0_i32, %c0_i32_0 : i32, i32
  }
}

module attributes {stable_mosaic.version = 14 : i64} {
  func.func @_fin_body(%arg0: memref<32x8192xf32, #tpu.memory_space<vmem>>, %arg1: memref<1x1xf32, #tpu.memory_space<vmem>>, %arg2: memref<1x1xf32, #tpu.memory_space<vmem>>, %arg3: memref<1x1xf32, #tpu.memory_space<vmem>>) attributes {dimension_semantics = [], scalar_prefetch = 0 : i64, scratch_operands = 0 : i64, tpu.core_type = #tpu.core_type<tc>} {
    %get3A = arith.constant 0 : index
    %get3A_0 = arith.constant 0 : index
    %get3A_1 = vector.load %arg0[%get3A, %get3A_0] : memref<32x8192xf32, #tpu.memory_space<vmem>>, vector<32x8192xf32>
    %reduce_sum3A = arith.constant dense<0.000000e+00> : vector<8192xf32>
    %reduce_sum3A_2 = vector.multi_reduction <add>, %get3A_1, %reduce_sum3A [0] : vector<32x8192xf32> to vector<8192xf32>
    %mul3A = arith.constant 1.08506945E-4 : f32
    %mul3A_3 = vector.broadcast %mul3A : f32 to vector<8192xf32>
    %mul3A_4 = arith.mulf %reduce_sum3A_2, %mul3A_3 : vector<8192xf32>
    %add3A = arith.constant 1.000000e-10 : f32
    %add3A_5 = vector.broadcast %add3A : f32 to vector<8192xf32>
    %add3A_6 = arith.addf %mul3A_4, %add3A_5 : vector<8192xf32>
    %log3A = math.log %add3A_6 : vector<8192xf32>
    %mul3A_7 = arith.mulf %mul3A_4, %log3A : vector<8192xf32>
    %reduce_sum3A_8 = vector.shape_cast %mul3A_7 : vector<8192xf32> to vector<1x8192xf32>
    %reduce_sum3A_9 = arith.constant dense<0.000000e+00> : vector<1xf32>
    %reduce_sum3A_10 = vector.multi_reduction <add>, %reduce_sum3A_8, %reduce_sum3A_9 [1] : vector<1x8192xf32> to vector<1xf32>
    %reduce_sum3A_11 = vector.shape_cast %reduce_sum3A_10 : vector<1xf32> to vector<1x1xf32>
    %reduce_sum3A_12 = vector.extract %reduce_sum3A_11[0, 0] : f32 from vector<1x1xf32>
    %neg3A = arith.constant 0.000000e+00 : f32
    %neg3A_13 = arith.subf %neg3A, %reduce_sum3A_12 : f32
    %exp3A = math.exp %neg3A_13 : f32
    %reshape3A = vector.broadcast %exp3A : f32 to vector<1x1xf32>
    %swap3A = arith.constant 0 : index
    %swap3A_14 = arith.constant 0 : index
    %swap3A_15 = vector.load %arg3[%swap3A, %swap3A_14] : memref<1x1xf32, #tpu.memory_space<vmem>>, vector<1x1xf32>
    tpu.vector_store %arg3[%swap3A, %swap3A_14], %reshape3A {strides = array<i32>} : memref<1x1xf32, #tpu.memory_space<vmem>>, vector<1x1xf32>,
    %get3A_16 = arith.constant 0 : index
    %get3A_17 = arith.constant 0 : index
    %get3A_18 = vector.load %arg1[%get3A_16, %get3A_17] : memref<1x1xf32, #tpu.memory_space<vmem>>, vector<1x1xf32>
    %mul3A_19 = arith.constant 4.23855255E-7 : f32
    %mul3A_20 = vector.broadcast %mul3A_19 : f32 to vector<1x1xf32>
    %mul3A_21 = arith.mulf %get3A_18, %mul3A_20 : vector<1x1xf32>
    %swap3A_22 = arith.constant 0 : index
    %swap3A_23 = arith.constant 0 : index
    %swap3A_24 = vector.load %arg2[%swap3A_22, %swap3A_23] : memref<1x1xf32, #tpu.memory_space<vmem>>, vector<1x1xf32>
    tpu.vector_store %arg2[%swap3A_22, %swap3A_23], %mul3A_21 {strides = array<i32>} : memref<1x1xf32, #tpu.memory_space<vmem>>, vector<1x1xf32>,
    return
  }
}

</mosaic_0001>

<sc_bundles>
// kernel: kernel.5.cloned.1.call-start
scs
__scs_entry_jumppad:
0x0: {  	(pc) =	sbr.rel $0x88, $3  }
0x1: {  	(tag) =	ssettag $0x0;
	lr =	simm.s32 $0x1  }
0x2: {  	[smem:$0x3F9F] =	sst lr;
	_ =	strace $0xD0000000  }
0x3: {  	_ = 	snop  }
0x4: {  	_ = 	snop  }
0x5: {  	_ = 	snop  }
0x6: {  	_ = 	snop  }
0x7: {  	_ = 	snop  }
__scs_overlays_trampoline_lowered:
0x8: {  	[smem:$0x3FAE] =	sst s0  }
0x9: {  	[smem:$0x3FAF] =	sst s1  }
0xa: {  	[smem:$0x3FB0] =	sst s2  }
0xb: {  	[smem:$0x3FB1] =	sst s3  }
0xc: {  	[smem:$0x3FB2] =	sst s4  }
0xd: {  	[smem:$0x3FB3] =	sst s5  }
0xe: {  	[smem:$0x3FB4] =	sst s6  }
0xf: {  	[smem:$0x3FB5] =	sst s7  }
0x10: {  	[smem:$0x3FB6] =	sst s8  }
0x11: {  	[smem:$0x3FB7] =	sst s9;
	s0 =	simm.s32 @!p0 $0x0  }
0x12: {  	s1 =	sld [smem:$0x3F9D];
	s0 =	simm.s32 @p0 $0x1  }
0x13: {  	[smem:$0x3FB8] =	sst s0;
	s0 =	simm.s32 @!p1 $0x0  }
0x14: {  	s2 =	sld [smem:$0x3F9C];
	s0 =	simm.s32 @p1 $0x1  }
0x15: {  	[smem:$0x3FB9] =	sst s0;
	s0 =	simm.s32 @!p2 $0x0  }
0x16: {  	s3 =	sld [smem:$0x3FDB];
	s0 =	simm.s32 @p2 $0x1  }
0x17: {  	s4 =	simm.s32 $0x1BF5;
	[smem:$0x3FBB] =	sst s0  }
0x18: {  	s0 =	sld [smem:$0x3F9E];
	_ =	swait.ge [sflag:s4], $0x0  }
0x19: {  	s7 =	sld [smem:$0x3F9F]  }
0x1a: {  	s8 =	sadd.s32 $0xFFFFE003, lr  }
0x1b: {  	s9 =	sadd.s32 $0xFFFFFEF7, lr;
	s5 =	simm.s32 $0xFFFFFFFF;
	p2 =	slt.u32 s8, $0xFFFFF086  }
0x1c: {  	p1 =	slt.u32 s9, $0xF7A;
	s5 =	simm.s32 @!p2 $0x0  }
0x1d: {  	s5 =	simm.s32 @p1 $0x1;
	p0 =	seq.s32 s7, s2  }
0x1e: {  	s7 =	smul.u32 @!p0 $0xF7A, s2;
	p2 =	seq.s32 @!p0 s5, $0x0  }
0x1f: {  	s9 =	smul.u32 $0xF7A, s1;
	s8 =	simm.s32 @!p0 $0x1BF5;
	p2 =	por !p2, p0  }
0x20: {  	[sflag:s8] =	ssyncset.s32 @!p0 $0xFFFFF086;
	s6 =	sadd.s32 @!p0 s3, s7;
	s7 =	simm.s32 @!p0 $0x108  }
0x21: {  	s3 =	sadd.s32 s3, s9;
	s6 =	sadd.s32 @!p0 $0x88, s6;
	s7 =	simm.s32 @p2 $0x1082  }
0x22: {  	[simem:s7], [sflag:s8] =	dma.local @!p0 [hbm:s6], $0xF7A  }
0x23: {  	s9 =	sor.u32 $0xD0000000, s2;
	s6 =	simm.s32 $0x108;
	_ =	swait.ge @!p0 [sflag:s8], $0x0  }
0x24: {  	s3 =	sadd.s32 $0x88, s3;
	s6 =	simm.s32 @!p1 $0x1082;
	[sflag:s4] =	ssyncset.s32 $0xFFFFF086  }
0x25: {  	[simem:s6], [sflag:s4] =	dma.local [hbm:s3], $0xF7A  }
0x26: {  	[smem:$0x3F9F] =	sst s1;
	(tag) =	ssettag s2;
	_ =	strace s9  }
0x27: {  	s1 =	sld [smem:$0x3FAF]  }
0x28: {  	s2 =	sld [smem:$0x3FB0]  }
0x29: {  	s4 =	sld [smem:$0x3FB2]  }
0x2a: {  	p0 =	seq.s32 s5, $0x0;
	s5 =	sld [smem:$0x3FB3]  }
0x2b: {  	s6 =	sld [smem:$0x3FB4]  }
0x2c: {  	s7 =	sld [smem:$0x3FB5]  }
0x2d: {  	s3 =	simm.s32 $0x108;
	s8 =	sld [smem:$0x3FB6]  }
0x2e: {  	s3 =	simm.s32 @!p0 $0x1082;
	s9 =	sld [smem:$0x3FB7]  }
0x2f: {  	lr =	sadd.s32 s0, s3;
	s0 =	sld [smem:$0x3FAE]  }
0x30: {  	s3 =	sld [smem:$0x3FB1]  }
0x31: {  	[smem:$0x3FBA] =	sst s10  }
0x32: {  	s10 =	sld [smem:$0x3FB8];
	_ =	sdelay $0x3  }
0x33: {  	p0 =	seq.s32 s10, $0x1;
	s10 =	sld [smem:$0x3FBA];
	_ =	sdelay $0x3  }
0x34: {  	[smem:$0x3FBA] =	sst s10  }
0x35: {  	s10 =	sld [smem:$0x3FB9];
	_ =	sdelay $0x3  }
0x36: {  	p1 =	seq.s32 s10, $0x1;
	s10 =	sld [smem:$0x3FBA];
	_ =	sdelay $0x3  }
0x37: {  	[smem:$0x3FBA] =	sst s10  }
0x38: {  	s10 =	sld [smem:$0x3FBB]  }
0x39: {  	_ = 	snop;
	(pc) =	sbr.ind lr, $3  }
0x3a: {  	_ = 	snop  }
0x3b: {  	_ = 	snop  }
0x3c: {  	p2 =	seq.s32 s10, $0x1;
	s10 =	sld [smem:$0x3FBA]  }
0x3d: {  	_ =	shalt  }
0x3e: {  	_ =	shalt  }
0x3f: {  	_ =	shalt  }
0x40: {  	_ =	shalt  }
0x41: {  	_ =	shalt  }
0x42: {  	_ =	shalt  }
0x43: {  	_ =	shalt  }
0x44: {  	_ =	shalt  }
0x45: {  	_ =	shalt  }
0x46: {  	_ =	shalt  }
0x47: {  	_ =	shalt  }
0x48: {  	_ =	shalt  }
0x49: {  	_ =	shalt  }
0x4a: {  	_ =	shalt  }
0x4b: {  	_ =	shalt  }
0x4c: {  	_ =	shalt  }
0x4d: {  	_ =	shalt  }
0x4e: {  	_ =	shalt  }
0x4f: {  	_ =	shalt  }
0x50: {  	_ =	shalt  }
0x51: {  	_ =	shalt  }
0x52: {  	_ =	shalt  }
0x53: {  	_ =	shalt  }
0x54: {  	_ =	shalt  }
0x55: {  	_ =	shalt  }
0x56: {  	_ =	shalt  }
0x57: {  	_ =	shalt  }
0x58: {  	_ =	shalt  }
0x59: {  	_ =	shalt  }
0x5a: {  	_ =	shalt  }
0x5b: {  	_ =	shalt  }
0x5c: {  	_ =	shalt  }
0x5d: {  	_ =	shalt  }
0x5e: {  	_ =	shalt  }
0x5f: {  	_ =	shalt  }
0x60: {  	_ =	shalt  }
0x61: {  	_ =	shalt  }
0x62: {  	_ =	shalt  }
0x63: {  	_ =	shalt  }
0x64: {  	_ =	shalt  }
0x65: {  	_ =	shalt  }
0x66: {  	_ =	shalt  }
0x67: {  	_ =	shalt  }
0x68: {  	_ =	shalt  }
0x69: {  	_ =	shalt  }
0x6a: {  	_ =	shalt  }
0x6b: {  	_ =	shalt  }
0x6c: {  	_ =	shalt  }
0x6d: {  	_ =	shalt  }
0x6e: {  	_ =	shalt  }
0x6f: {  	_ =	shalt  }
0x70: {  	_ =	shalt  }
0x71: {  	_ =	shalt  }
0x72: {  	_ =	shalt  }
0x73: {  	_ =	shalt  }
0x74: {  	_ =	shalt  }
0x75: {  	_ =	shalt  }
0x76: {  	_ =	shalt  }
0x77: {  	_ =	shalt  }
0x78: {  	_ =	shalt  }
0x79: {  	_ =	shalt  }
0x7a: {  	_ =	shalt  }
0x7b: {  	_ =	shalt  }
0x7c: {  	_ =	shalt  }
0x7d: {  	_ =	shalt  }
0x7e: {  	_ =	shalt  }
0x7f: {  	_ =	shalt  }
0x80: {  	_ =	shalt  }
0x81: {  	_ =	shalt  }
0x82: {  	_ =	shalt  }
0x83: {  	_ =	shalt  }
0x84: {  	_ =	shalt  }
0x85: {  	_ =	shalt  }
0x86: {  	_ =	shalt  }
0x87: {  	_ =	shalt  }
.Lfunc_end0:
.L_simem_size_0:
called_computation_lowered:
.L_overlay_start_0:
0x88: {  	s2 =	sld [smem:$0x3FD9]  }
0x89: {  	s3 =	sld [smem:$0x3FFE];
	_ =	sdelay $0x1  }
0x8a: {  	s1 =	srdreg.scid  }
0x8b: {  	s0 =	sand.u32 $0x1, s1  }
0x8c: {  	s14 =	sshll.u32 s0, $0xA;
	s2 =	sadd.s32 s3, s2  }
0x8d: {  	s2 =	sadd.s32 s2, s14  }
0x8e: {  	[smem:$0x3FC6] =	sst s2  }
0x8f: {  	_ = 	snop  }
0x90: {  	s2 =	sld [smem:$0x3FD0];
	_ =	sdelay $0x2  }
0x91: {  	s15 =	simm.s32 $0xA;
	s4 =	simm.s32 $0x10  }
0x92: {  	[smem:s4], [sflag:s15] =	dma.local [hbm:s2], $0x1  }
0x93: {  	_ =	swait.eq [sflag:s15], $0x1  }
0x94: {  	[sflag:s15] =	ssyncset.done $0x0  }
0x95: {  	s16 =	sld [smem:$0x11];
	[sflag:s15] =	ssyncadd.s32 $0xFFFFFFFF  }
0x96: {  	s17 =	sld [smem:$0x13];
	(tm) =	ssettm $0x1  }
0x97: {  	s18 =	sld [smem:$0x3FFB];
	_ =	sdelay $0x3  }
0x98: {  	_ =	strace s18  }
0x99: {  	s4 =	sld [smem:$0x3FFC];
	_ =	sdelay $0x3  }
0x9a: {  	_ =	strace s4  }
0x9b: {  	s4 =	sld [smem:$0x3FFD];
	_ =	sdelay $0x3  }
0x9c: {  	_ =	strace s4  }
0x9d: {  	_ =	strace $0x8FFFFFFF  }
0x9e: {  	s19 =	sld [smem:$0x3FDB];
	_ =	sdelay $0x1  }
0x9f: {  	s5 =	simm.s32 $_scs_section_size  }
0xa0: {  	s6 =	simm.s32 $_size__tile_overlayer_lowered;
	s7 =	simm.s32 $_tile_overlayer_lowered  }
0xa1: {  	s22 =	simm.s32 $0x1BFF;
	s21 =	sshll.u32 s7, $0x1;
	s4 =	sadd.s32 s5, s19  }
0xa2: {  	s8 =	simm.s32 $0x0;
	s20 =	sshll.u32 s6, $0x1;
	s6 =	sadd.s32 s21, s4  }
0xa3: {  	[timem:s8], [sflag:s22] =	dma.local [hbm:s6], s20  }
0xa4: {  	_ =	swait.ge [sflag:s22], s20  }
0xa5: {  	s5 =	ssub.s32 $0x0, s20;
	[sflag:s22] =	ssyncset.done $0x0  }
0xa6: {  	[sflag:s22] =	ssyncadd.s32 s5;
	_ =	sdelay $0x1  }
0xa7: {  	s23 =	simm.s32 $0x1B8B  }
0xa8: {  	_ =	swait.ge [sflag:s23], $0x1  }
0xa9: {  	[sflag:s23] =	ssyncset.done $0x0  }
0xaa: {  	s25 =	simm.s32 $0x1B8E;
	s24 =	sld [smem:$0x3FFE];
	[sflag:s23] =	ssyncadd.s32 $0xFFFFFFFF  }
0xab: {  	s26 =	simm.s32 $execute0_lowered;
	[smem:$0x3FD2] =	sst s25  }
0xac: {  	s6 =	sshll.u32 s26, $0x1;
	_ =	strace $0x80000046;
	[dreg:$0x1] =	wrdreg $0xFFFFFFFF  }
0xad: {  	s28 =	simm.s32 $_size_execute0_lowered;
	s4 =	sadd.s32 s4, s6;
	[dreg:$0x0] =	wrdreg $0x0  }
0xae: {  	s6 =	sshll.u32 s28, $0x1;
	[dreg:$0x2] =	wrdreg s4  }
0xaf: {  	[dreg:$0x3] =	wrdreg s6  }
0xb0: {  	[dreg:$0x4] =	wrdreg $0xC0  }
0xb1: {  	_ =	task [dreg:s8], $0x5FFFF  }
0xb2: {  	[dreg:$0x1] =	wrdreg $0xFFFFFFFF  }
0xb3: {  	[dreg:$0x0] =	wrdreg $0x60  }
0xb4: {  	[dreg:$0x2] =	wrdreg s24  }
0xb5: {  	[dreg:$0x3] =	wrdreg s17  }
0xb6: {  	[dreg:$0x4] =	wrdreg s16  }
0xb7: {  	[dreg:$0x5] =	wrdreg $0x9  }
0xb8: {  	_ =	task.clear_ibuf [dreg:s8], $0x6FFFF;
	_ =	strace $0x90000046  }
0xb9: {  	s29 =	simm.s32 $0x9;
	_ =	strace $0x80000048  }
0xba: {  	_ =	swait.ge [sflag:s29], $0x1  }
0xbb: {  	[sflag:s29] =	ssyncadd.s32 $0xFFFFFFFF  }
0xbc: {  	_ =	strace $0x90000048  }
0xbd: {  	_ =	sfence  }
0xbe: {  	s30 =	sld [smem:$0x0];
	_ =	sdelay $0x2  }
0xbf: {  	s31 =	sshll.u32 s1, $0xD;
	s1 =	sshrl.u32 s1, $0x2  }
0xc0: {  	s3 =	sand.u32 $0x4000, s31;
	s1 =	sadd.s32 s1, s30  }
0xc1: {  	s0 =	sor.u32 s3, s0;
	s1 =	sshll.u32 s1, $0x11  }
0xc2: {  	s0 =	sor.u32 s1, s0  }
0xc3: {  	s0 =	sadd.s32 $0x8F2B, s0  }
0xc4: {  	[sflag:s0] =	ssyncadd.remote.s32 $0x1  }
0xc5: {  	_ =	sfence.sel $0xFFFF  }
0xc6: {  	[dreg:$0x0] =	wrdreg $0xFFFFFFFF;
	(pc) =	sbr.abs _section_cstart, $3  }
0xc7: {  	[dreg:$0x1] =	wrdreg $0xFFFFFFFF  }
0xc8: {  	_ =	task.clear_ibuf [dreg:s8], $0x2FFFF;
	_ =	strace $0x9FFFFFFF  }
0xc9: {  	(tm) =	ssettm $0x7FFFFFFF  }
tec
execute0_lowered:
.L_overlay_start_1:
0x0: {  	(tag) =	ssettag $0x1  }
0x1: {  	s4 =	rddreg [dreg:$0x0]  }
0x2: {  	s5 =	rddreg [dreg:$0x1]  }
0x3: {  	s6 =	rddreg [dreg:$0x2]  }
0x4: {  	s0 =	rddreg [dreg:$0x3];
	s3 =	srdreg.scid  }
0x5: {  	s1 =	stileid.u32;
	s2 =	simm.s32 $0x0;
	s12 =	simm.s32 $0x0  }
0x6: {  	s3 =	sand.u32 $0x1, s3;
	s7 =	sshll.u32 s1, $0x1;
	[smem:$0x7FF] =	sst s2  }
0x7: {  	s7 =	sor.u32 s3, s7;
	_ =	strace $0x80000047;
	s8 =	ssub.s32 $0x2, s3  }
0x8: {  	s3 =	sadd.s32 $0xE00, s4;
	s9 =	smul.u32 $0x24, s7;
	s10 =	sshll.u32 s7, $0xA  }
0x9: {  	s11 =	sshrl.u32 s8, $0x1;
	s7 =	smul.u32 $0x900, s7;
	s10 =	sadd.s32 s10, s4  }
0xa: {  	s8 =	ssub.s32 s8, s11;
	s11 =	simm.s32 $0x1;
	s4 =	sadd.s32 s5, s9  }
0xb: {  	s5 =	sadd.s32 $0x11000, s10;
	s6 =	sadd.s32 s6, s7;
	s7 =	smax.u32 s8, $0x1  }
0xc: {  	v0 =	vimm.f32 $0.0e+00;
	v1 =	vimm.f32 $1.000000000e+00;
	s8 =	simm.s32 $0x2;
	s9 =	simm.s32 $0x120;
	s10 =	simm.s32 $0x4920  }
.LBB2_1:
0xd: {  	[tilespmem:s2], [sflag:$0x2] =	stream.linear.gather [hbm4b:s4+s2], $0x120, $0x38;
	[tilespmem:$0x6920] =	vst v63  }
0xe: {  	_ =	swait.ge [sflag:s8], $0x120  }
0xf: {  	[sflag:s8] =	ssyncset.done $0x0  }
0x10: {  	s13 =	simm.s32 $0x40;
	s14 =	simm.s32 $0x0;
	[sflag:s8] =	ssyncadd.s32 $0xFFFFFEE0  }
0x11: {  	[tilespmem:s9], [sflag:$0x1] =	stream.indirect.gather [hbm4b:s3+s9], $0x40, s2, s9, $0xb8;
	[tilespmem:$0x6920] =	vst v63  }
.LBB2_2:
0x12: {  	p0 =	sne.s32 s13, $0x7FC0;
	[tilespmem:s14+$0x4920] =	vst v0;
	s14 =	smov.u32 s13;
	s13 =	sadd.s32 $0x40, s13  }
.Ltmp0:
0x13: {  	(pc) =	sbr.rel @p0 .LBB2_2-.Ltmp0, $2  }
0x14: {  	_ =	sdelay $0x2  }
0x15: {  	s14 =	sshra.s32 s14, $0x2  }
0x16: {  	[tilespmem:s14+$0x4920] =	vst v0  }
0x17: {  	v2 =	vld [tilespmem:$0x0];
	_ =	sdelay $0x7  }
0x18: {  	[tilespmem:v2+s10+$0x0] =	vst.idx.add.f32.msk $0xffff, v1  }
0x19: {  	v2 =	vld [tilespmem:$0x10];
	_ =	sdelay $0x7  }
0x1a: {  	[tilespmem:v2+s10+$0x0] =	vst.idx.add.f32.msk $0xffff, v1  }
0x1b: {  	v2 =	vld [tilespmem:$0x20];
	_ =	sdelay $0x7  }
0x1c: {  	[tilespmem:v2+s10+$0x0] =	vst.idx.add.f32.msk $0xffff, v1  }
0x1d: {  	v2 =	vld [tilespmem:$0x30];
	_ =	sdelay $0x7  }
0x1e: {  	[tilespmem:v2+s10+$0x0] =	vst.idx.add.f32.msk $0xffff, v1  }
0x1f: {  	v2 =	vld [tilespmem:$0x40];
	_ =	sdelay $0x7  }
0x20: {  	[tilespmem:v2+s10+$0x0] =	vst.idx.add.f32.msk $0xffff, v1  }
0x21: {  	v2 =	vld [tilespmem:$0x50];
	_ =	sdelay $0x7  }
0x22: {  	[tilespmem:v2+s10+$0x0] =	vst.idx.add.f32.msk $0xffff, v1  }
0x23: {  	v2 =	vld [tilespmem:$0x60];
	_ =	sdelay $0x7  }
0x24: {  	[tilespmem:v2+s10+$0x0] =	vst.idx.add.f32.msk $0xffff, v1  }
0x25: {  	v2 =	vld [tilespmem:$0x70];
	_ =	sdelay $0x7  }
0x26: {  	[tilespmem:v2+s10+$0x0] =	vst.idx.add.f32.msk $0xffff, v1  }
0x27: {  	v2 =	vld [tilespmem:$0x80];
	_ =	sdelay $0x7  }
0x28: {  	[tilespmem:v2+s10+$0x0] =	vst.idx.add.f32.msk $0xffff, v1  }
0x29: {  	v2 =	vld [tilespmem:$0x90];
	_ =	sdelay $0x7  }
0x2a: {  	[tilespmem:v2+s10+$0x0] =	vst.idx.add.f32.msk $0xffff, v1  }
0x2b: {  	v2 =	vld [tilespmem:$0xA0];
	_ =	sdelay $0x7  }
0x2c: {  	[tilespmem:v2+s10+$0x0] =	vst.idx.add.f32.msk $0xffff, v1  }
0x2d: {  	v2 =	vld [tilespmem:$0xB0];
	_ =	sdelay $0x7  }
0x2e: {  	[tilespmem:v2+s10+$0x0] =	vst.idx.add.f32.msk $0xffff, v1  }
0x2f: {  	v2 =	vld [tilespmem:$0xC0];
	_ =	sdelay $0x7  }
0x30: {  	[tilespmem:v2+s10+$0x0] =	vst.idx.add.f32.msk $0xffff, v1  }
0x31: {  	v2 =	vld [tilespmem:$0xD0];
	_ =	sdelay $0x7  }
0x32: {  	[tilespmem:v2+s10+$0x0] =	vst.idx.add.f32.msk $0xffff, v1  }
0x33: {  	v2 =	vld [tilespmem:$0xE0];
	_ =	sdelay $0x7  }
0x34: {  	[tilespmem:v2+s10+$0x0] =	vst.idx.add.f32.msk $0xffff, v1  }
0x35: {  	v2 =	vld [tilespmem:$0xF0];
	_ =	sdelay $0x7  }
0x36: {  	[tilespmem:v2+s10+$0x0] =	vst.idx.add.f32.msk $0xffff, v1  }
0x37: {  	v2 =	vld [tilespmem:$0x100];
	_ =	sdelay $0x7  }
0x38: {  	[tilespmem:v2+s10+$0x0] =	vst.idx.add.f32.msk $0xffff, v1  }
0x39: {  	v2 =	vld [tilespmem:$0x110];
	_ =	sdelay $0x7  }
0x3a: {  	[tilespmem:v2+s10+$0x0] =	vst.idx.add.f32.msk $0xffff, v1  }
0x3b: {  	[hbm4b:s5+s2] =	stream.linear.scatter [tilespmem:s10], [sflag:$0x2], $0x2000, $0x38;
	[tilespmem:$0x6920] =	vst v63  }
0x3c: {  	_ =	swait.ge [sflag:s8], $0x2000  }
0x3d: {  	[sflag:s8] =	ssyncset.done $0x0  }
0x3e: {  	[sflag:s8] =	ssyncadd.s32 $0xFFFFE000  }
0x3f: {  	s12 =	sadd.s32 $0x1, s12;
	_ =	swait.ge [sflag:s11], $0x4800  }
0x40: {  	p0 =	sne.s32 s12, s7;
	[sflag:s11] =	ssyncset.done $0x0  }
.Ltmp1:
0x41: {  	[sflag:s11] =	ssyncadd.s32 $0xFFFFB800;
	(pc) =	sbr.rel @p0 .LBB2_1-.Ltmp1, $4  }
0x42: {  	[hbm4b:s6+s2] =	stream.linear.scatter [tilespmem:s9], [sflag:$0x2], $0x4800, $0x38;
	[tilespmem:$0x6920] =	vst v63  }
0x43: {  	_ =	swait.ge [sflag:s8], $0x4800  }
0x44: {  	[sflag:s8] =	ssyncset.done $0x0  }
0x45: {  	[sflag:s8] =	ssyncadd.s32 $0xFFFFB800  }
0x46: {  	_ =	sfence.sel $0x180000  }
0x47: {  	[bflag:$0x0] =	sbarrier.arrive $0xFFFF  }
0x48: {  	p0 =	sne.s32 s1, $0x0;
	_ =	strace $0x90000047  }
0x49: {  	s0 =	sadd.s32 @!p0 $0x100000, s0;
	[bflag:$0x2] =	sbarrier.arrive $0xFFFF  }
0x4a: {  	[sflag:s0] =	ssyncadd.tile.s32 @!p0 $0x1;
	_ =	shalt  }
.Lfunc_end2:
_tile_overlayer_lowered:
.L_overlay_start_2:
0x4b: {  	(tag) =	ssettag $0x2  }
0x4c: {  	s0 =	rddreg [dreg:$0x0];
	s2 =	stileid.u32  }
0x4d: {  	s1 =	rddreg [dreg:$0x1];
	p0 =	sne.s32 s2, $0x0  }
0x4e: {  	s3 =	rddreg [dreg:$0x2];
	[bflag:$0x3] =	sbarrier.arrive $0xFFFF;
	s2 =	simm.s32 @!p0 $0x1C02  }
0x4f: {  	[timem:s3], [sflag:s2] =	dma.local @!p0 [hbm:s0], s1  }
0x50: {  	s0 =	simm.s32 @!p0 $0x2  }
0x51: {  	_ =	swait.ge @!p0 [sflag:s0], s1  }
0x52: {  	s1 =	ssub.s32 @!p0 $0x0, s1;
	[sflag:s0] =	ssyncset.done @!p0 $0x0  }
0x53: {  	[sflag:s0] =	ssyncadd.s32 @!p0 s1  }
0x54: {  	[bflag:$0x3] =	sbarrier.arrive $0xFFFF  }
0x55: {  	_ =	shalt  }

</sc_bundles>
